<compile_context>
chip_gen: v7x
topology: tpu7x:2x2x1
jax: 0.10.2.dev20260603
libtpu: 0.0.44.dev20260713+nightly
codegen_flags: <defaults>
</compile_context>

<pallas_src>
import functools

import jax
import jax.numpy as jnp
from jax import lax
from jax.experimental import pallas as pl
from jax.experimental.pallas import tpu as pltpu
from jax.experimental.pallas import tpu_sc as plsc

_NC = 2
_NS = 16
_NW = _NC * _NS
_LANES = 16
_CH = 16
_UNROLL = 8


def _make_sc_kernel(B, S, D):
    s_per_w = S // _NW
    n_chunks = s_per_w // _CH
    vregs_per_row = D // _LANES

    mesh = plsc.VectorSubcoreMesh(core_axis_name="c", subcore_axis_name="s")

    @functools.partial(
        pl.kernel,
        mesh=mesh,
        out_type=jax.ShapeDtypeStruct((B, S, D), jnp.float32),
        scratch_types=[
            pltpu.VMEM((_CH, D), jnp.float32),
            pltpu.VMEM((_CH, D), jnp.float32),
        ],
    )
    def sc_add(x_hbm, pe_hbm, out_hbm, pev, xv):
        wid = lax.axis_index("s") * _NC + lax.axis_index("c")
        s_base = wid * s_per_w

        def chunk_body(ci, carry):
            s0 = s_base + ci * _CH
            pltpu.sync_copy(pe_hbm.at[pl.ds(s0, _CH)], pev)

            def batch_body(b, carry2):
                pltpu.sync_copy(x_hbm.at[b, pl.ds(s0, _CH)], xv)

                def row_body(r, carry3):
                    def vec_body(j, carry4):
                        for u in range(_UNROLL):
                            sl = pl.ds((j * _UNROLL + u) * _LANES, _LANES)
                            xv[r, sl] = xv[r, sl] + pev[r, sl]
                        return carry4

                    return lax.fori_loop(
                        0, vregs_per_row // _UNROLL, vec_body, carry3
                    )

                lax.fori_loop(0, _CH, row_body, 0)
                pltpu.sync_copy(xv, out_hbm.at[b, pl.ds(s0, _CH)])
                return carry2

            lax.fori_loop(0, B, batch_body, 0)
            return carry

        lax.fori_loop(0, n_chunks, chunk_body, 0)

    return sc_add


def kernel(x, pos_embedding):
    B, S, D = x.shape
    return _make_sc_kernel(B, S, D)(x, pos_embedding)

# --- scband reference (transcript-rebuilt; emitter-appended) ---
"""Pipeline reference for scband-positional-encoding-61692910240120 (READ-ONLY COPY).

The authoritative reference and input builder live on the scoring server;
editing this copy changes nothing except your own understanding.
"""

import jax, jax.numpy as jnp
import numpy as np

MAX_SEQ_LEN = 8192
EMBED_DIM = 2048
B, S, D = 4, 4096, 2048

def setup_inputs(seed: int = 0) -> dict:
    key = jax.random.key(seed)
    k1, k2 = jax.random.split(key)
    x = jax.random.normal(k1, (B, S, D), dtype=jnp.float32)
    # nn.Embedding default init: N(0, 1)
    pos_embedding = jax.random.normal(k2, (MAX_SEQ_LEN, EMBED_DIM), dtype=jnp.float32)
    return {"x": x, "pos_embedding": pos_embedding}

def reference(x, pos_embedding):
    # pos = arange(0, S) broadcast over batch; gather rows from table and add
    pos = jnp.arange(x.shape[1], dtype=jnp.int32)  # [S]
    pos = jnp.broadcast_to(pos[None, :], (x.shape[0], x.shape[1]))  # [B, S]
    pe = jnp.take(pos_embedding, pos, axis=0)  # [B, S, D]
    return x + pe

if __name__ == "__main__":
    import jax
    _d = setup_inputs()
    print(jax.jit(kernel)(*tuple(_d.values())))

</pallas_src>

<mosaic_0001>
#map = affine_map<(d0, d1) -> (0, 0, 0)>
#map1 = affine_map<(d0, d1) -> (0, 0)>
module attributes {stable_mosaic.version = 14 : i64} {
  func.func @sc_add(%arg0: i32, %arg1: i32, %arg2: memref<4x4096x2048xf32, #tpu.memory_space<hbm>>, %arg3: memref<8192x2048xf32, #tpu.memory_space<hbm>>, %arg4: memref<4x4096x2048xf32, #tpu.memory_space<hbm>>, %arg5: memref<16x2048xf32, #tpu.memory_space<vmem>>, %arg6: memref<16x2048xf32, #tpu.memory_space<vmem>>) attributes {dimension_semantics = [#tpu.dimension_semantics<core_parallel>, #tpu.dimension_semantics<subcore_parallel>], iteration_bounds = array<i64: 2, 16>, scalar_prefetch = 0 : i64, scratch_operands = 2 : i64, tpu.core_type = #tpu.core_type<sc_vector_subcore>, window_params = [{transform_indices = #map}, {transform_indices = #map1}, {transform_indices = #map}]} {
    %mul3A = arith.constant 2 : i32
    %mul3A_0 = arith.muli %arg1, %mul3A : i32
    %add3A = arith.addi %mul3A_0, %arg0 : i32
    %mul3A_1 = arith.constant 128 : i32
    %mul3A_2 = arith.muli %add3A, %mul3A_1 : i32
    %scan3A = arith.constant 0 : i32
    %scan3A_3 = arith.constant 0 : i32
    %scan3A_4 = arith.constant 8 : i32
    %scan3A_5 = arith.addi %scan3A_3, %scan3A_4 : i32
    %scan3A_6 = arith.constant 1 : i32
    scf.for %scan3A_8 = %scan3A_3 to %scan3A_5 step %scan3A_6  : i32 {
      %mul3A_9 = arith.constant 16 : i32
      %mul3A_10 = arith.muli %scan3A_8, %mul3A_9 : i32
      %add3A_11 = arith.addi %mul3A_2, %mul3A_10 : i32
      "tpu.region"() ({
        %run_scoped3A = tpu.sem_alloc : memref<!tpu.dma_semaphore, #tpu.memory_space<semaphore_mem>>
        %dma_start3A = arith.constant 0 : i32
        %dma_start3A_18 = tpu.memref_slice %arg3[%add3A_11, %dma_start3A] : memref<8192x2048xf32, #tpu.memory_space<hbm>> -> memref<16x2048xf32, #tpu.memory_space<hbm>>
        %dma_start3A_19 = arith.constant 0 : i32
        %dma_start3A_20 = tpu.memref_slice %arg3[%add3A_11, %dma_start3A_19] : memref<8192x2048xf32, #tpu.memory_space<hbm>> -> memref<16x2048xf32, #tpu.memory_space<hbm>>
        tpu.enqueue_dma source(%dma_start3A_20 : memref<16x2048xf32, #tpu.memory_space<hbm>>) target(%arg5 : memref<16x2048xf32, #tpu.memory_space<vmem>>) target_semaphore(%run_scoped3A : memref<!tpu.dma_semaphore, #tpu.memory_space<semaphore_mem>>)
        %dma_wait3A = arith.constant 0 : i32
        %dma_wait3A_21 = tpu.memref_slice %arg3[%add3A_11, %dma_wait3A] : memref<8192x2048xf32, #tpu.memory_space<hbm>> -> memref<16x2048xf32, #tpu.memory_space<hbm>>
        %dma_wait3A_22 = arith.constant 0 : i32
        %dma_wait3A_23 = tpu.memref_slice %arg3[%add3A_11, %dma_wait3A_22] : memref<8192x2048xf32, #tpu.memory_space<hbm>> -> memref<16x2048xf32, #tpu.memory_space<hbm>>
        tpu.wait_dma2 semaphore(%run_scoped3A : memref<!tpu.dma_semaphore, #tpu.memory_space<semaphore_mem>>) src(%dma_wait3A_23 : memref<16x2048xf32, #tpu.memory_space<hbm>>) dst(%arg5 : memref<16x2048xf32, #tpu.memory_space<vmem>>)
        tpu.yield
      }) : () -> ()
      %scan3A_12 = arith.constant 0 : i32
      %scan3A_13 = arith.constant 0 : i32
      %scan3A_14 = arith.constant 4 : i32
      %scan3A_15 = arith.addi %scan3A_13, %scan3A_14 : i32
      %scan3A_16 = arith.constant 1 : i32
      scf.for %scan3A_18 = %scan3A_13 to %scan3A_15 step %scan3A_16  : i32 {
        "tpu.region"() ({
          %run_scoped3A = tpu.sem_alloc : memref<!tpu.dma_semaphore, #tpu.memory_space<semaphore_mem>>
          %dma_start3A = arith.constant 0 : i32
          %dma_start3A_25 = tpu.memref_slice %arg2[%scan3A_18, %add3A_11, %dma_start3A] : memref<4x4096x2048xf32, #tpu.memory_space<hbm>> -> memref<1x16x2048xf32, #tpu.memory_space<hbm>>
          %dma_start3A_26 = tpu.memref_squeeze %dma_start3A_25 : memref<1x16x2048xf32, #tpu.memory_space<hbm>> -> memref<16x2048xf32, #tpu.memory_space<hbm>>
          %dma_start3A_27 = arith.constant 0 : i32
          %dma_start3A_28 = tpu.memref_slice %arg2[%scan3A_18, %add3A_11, %dma_start3A_27] : memref<4x4096x2048xf32, #tpu.memory_space<hbm>> -> memref<1x16x2048xf32, #tpu.memory_space<hbm>>
          %dma_start3A_29 = tpu.memref_squeeze %dma_start3A_28 : memref<1x16x2048xf32, #tpu.memory_space<hbm>> -> memref<16x2048xf32, #tpu.memory_space<hbm>>
          tpu.enqueue_dma source(%dma_start3A_29 : memref<16x2048xf32, #tpu.memory_space<hbm>>) target(%arg6 : memref<16x2048xf32, #tpu.memory_space<vmem>>) target_semaphore(%run_scoped3A : memref<!tpu.dma_semaphore, #tpu.memory_space<semaphore_mem>>)
          %dma_wait3A = arith.constant 0 : i32
          %dma_wait3A_30 = tpu.memref_slice %arg2[%scan3A_18, %add3A_11, %dma_wait3A] : memref<4x4096x2048xf32, #tpu.memory_space<hbm>> -> memref<1x16x2048xf32, #tpu.memory_space<hbm>>
          %dma_wait3A_31 = tpu.memref_squeeze %dma_wait3A_30 : memref<1x16x2048xf32, #tpu.memory_space<hbm>> -> memref<16x2048xf32, #tpu.memory_space<hbm>>
          %dma_wait3A_32 = arith.constant 0 : i32
          %dma_wait3A_33 = tpu.memref_slice %arg2[%scan3A_18, %add3A_11, %dma_wait3A_32] : memref<4x4096x2048xf32, #tpu.memory_space<hbm>> -> memref<1x16x2048xf32, #tpu.memory_space<hbm>>
          %dma_wait3A_34 = tpu.memref_squeeze %dma_wait3A_33 : memref<1x16x2048xf32, #tpu.memory_space<hbm>> -> memref<16x2048xf32, #tpu.memory_space<hbm>>
          tpu.wait_dma2 semaphore(%run_scoped3A : memref<!tpu.dma_semaphore, #tpu.memory_space<semaphore_mem>>) src(%dma_wait3A_34 : memref<16x2048xf32, #tpu.memory_space<hbm>>) dst(%arg6 : memref<16x2048xf32, #tpu.memory_space<vmem>>)
          tpu.yield
        }) : () -> ()
        %scan3A_19 = arith.constant 0 : i32
        %scan3A_20 = arith.constant 0 : i32
        %scan3A_21 = arith.constant 16 : i32
        %scan3A_22 = arith.addi %scan3A_20, %scan3A_21 : i32
        %scan3A_23 = arith.constant 1 : i32
        scf.for %scan3A_25 = %scan3A_20 to %scan3A_22 step %scan3A_23  : i32 {
          %scan3A_26 = arith.constant 0 : i32
          %scan3A_27 = arith.constant 16 : i32
          %scan3A_28 = arith.addi %scan3A_26, %scan3A_27 : i32
          %scan3A_29 = arith.constant 1 : i32
          scf.for %scan3A_31 = %scan3A_26 to %scan3A_28 step %scan3A_29  : i32 {
            %mul3A_32 = arith.constant 8 : i32
            %mul3A_33 = arith.muli %scan3A_31, %mul3A_32 : i32
            %add3A_34 = arith.constant 0 : i32
            %add3A_35 = arith.addi %mul3A_33, %add3A_34 : i32
            %mul3A_36 = arith.constant 16 : i32
            %mul3A_37 = arith.muli %add3A_35, %mul3A_36 : i32
            %get3A = arith.index_cast %scan3A_25 : i32 to index
            %get3A_38 = arith.index_cast %mul3A_37 : i32 to index
            %get3A_39 = tpu.vector_load %arg6[%get3A, %get3A_38] {strides = array<i32>} : memref<16x2048xf32, #tpu.memory_space<vmem>>, vector<1x16xf32>,
            %get3A_40 = vector.shape_cast %get3A_39 : vector<1x16xf32> to vector<16xf32>
            %get3A_41 = arith.index_cast %scan3A_25 : i32 to index
            %get3A_42 = arith.index_cast %mul3A_37 : i32 to index
            %get3A_43 = tpu.vector_load %arg5[%get3A_41, %get3A_42] {strides = array<i32>} : memref<16x2048xf32, #tpu.memory_space<vmem>>, vector<1x16xf32>,
            %get3A_44 = vector.shape_cast %get3A_43 : vector<1x16xf32> to vector<16xf32>
            %add3A_45 = arith.addf %get3A_40, %get3A_44 : vector<16xf32>
            %swap3A = arith.index_cast %scan3A_25 : i32 to index
            %swap3A_46 = arith.index_cast %mul3A_37 : i32 to index
            %swap3A_47 = tpu.vector_load %arg6[%swap3A, %swap3A_46] {strides = array<i32>} : memref<16x2048xf32, #tpu.memory_space<vmem>>, vector<1x16xf32>,
            %swap3A_48 = vector.shape_cast %swap3A_47 : vector<1x16xf32> to vector<16xf32>
            %swap3A_49 = vector.shape_cast %add3A_45 : vector<16xf32> to vector<1x16xf32>
            tpu.vector_store %arg6[%swap3A, %swap3A_46], %swap3A_49 {strides = array<i32>} : memref<16x2048xf32, #tpu.memory_space<vmem>>, vector<1x16xf32>,
            %mul3A_50 = arith.constant 8 : i32
            %mul3A_51 = arith.muli %scan3A_31, %mul3A_50 : i32
            %add3A_52 = arith.constant 1 : i32
            %add3A_53 = arith.addi %mul3A_51, %add3A_52 : i32
            %mul3A_54 = arith.constant 16 : i32
            %mul3A_55 = arith.muli %add3A_53, %mul3A_54 : i32
            %get3A_56 = arith.index_cast %scan3A_25 : i32 to index
            %get3A_57 = arith.index_cast %mul3A_55 : i32 to index
            %get3A_58 = tpu.vector_load %arg6[%get3A_56, %get3A_57] {strides = array<i32>} : memref<16x2048xf32, #tpu.memory_space<vmem>>, vector<1x16xf32>,
            %get3A_59 = vector.shape_cast %get3A_58 : vector<1x16xf32> to vector<16xf32>
            %get3A_60 = arith.index_cast %scan3A_25 : i32 to index
            %get3A_61 = arith.index_cast %mul3A_55 : i32 to index
            %get3A_62 = tpu.vector_load %arg5[%get3A_60, %get3A_61] {strides = array<i32>} : memref<16x2048xf32, #tpu.memory_space<vmem>>, vector<1x16xf32>,
            %get3A_63 = vector.shape_cast %get3A_62 : vector<1x16xf32> to vector<16xf32>
            %add3A_64 = arith.addf %get3A_59, %get3A_63 : vector<16xf32>
            %swap3A_65 = arith.index_cast %scan3A_25 : i32 to index
            %swap3A_66 = arith.index_cast %mul3A_55 : i32 to index
            %swap3A_67 = tpu.vector_load %arg6[%swap3A_65, %swap3A_66] {strides = array<i32>} : memref<16x2048xf32, #tpu.memory_space<vmem>>, vector<1x16xf32>,
            %swap3A_68 = vector.shape_cast %swap3A_67 : vector<1x16xf32> to vector<16xf32>
            %swap3A_69 = vector.shape_cast %add3A_64 : vector<16xf32> to vector<1x16xf32>
            tpu.vector_store %arg6[%swap3A_65, %swap3A_66], %swap3A_69 {strides = array<i32>} : memref<16x2048xf32, #tpu.memory_space<vmem>>, vector<1x16xf32>,
            %mul3A_70 = arith.constant 8 : i32
            %mul3A_71 = arith.muli %scan3A_31, %mul3A_70 : i32
            %add3A_72 = arith.constant 2 : i32
            %add3A_73 = arith.addi %mul3A_71, %add3A_72 : i32
            %mul3A_74 = arith.constant 16 : i32
            %mul3A_75 = arith.muli %add3A_73, %mul3A_74 : i32
            %get3A_76 = arith.index_cast %scan3A_25 : i32 to index
            %get3A_77 = arith.index_cast %mul3A_75 : i32 to index
            %get3A_78 = tpu.vector_load %arg6[%get3A_76, %get3A_77] {strides = array<i32>} : memref<16x2048xf32, #tpu.memory_space<vmem>>, vector<1x16xf32>,
            %get3A_79 = vector.shape_cast %get3A_78 : vector<1x16xf32> to vector<16xf32>
            %get3A_80 = arith.index_cast %scan3A_25 : i32 to index
            %get3A_81 = arith.index_cast %mul3A_75 : i32 to index
            %get3A_82 = tpu.vector_load %arg5[%get3A_80, %get3A_81] {strides = array<i32>} : memref<16x2048xf32, #tpu.memory_space<vmem>>, vector<1x16xf32>,
            %get3A_83 = vector.shape_cast %get3A_82 : vector<1x16xf32> to vector<16xf32>
            %add3A_84 = arith.addf %get3A_79, %get3A_83 : vector<16xf32>
            %swap3A_85 = arith.index_cast %scan3A_25 : i32 to index
            %swap3A_86 = arith.index_cast %mul3A_75 : i32 to index
            %swap3A_87 = tpu.vector_load %arg6[%swap3A_85, %swap3A_86] {strides = array<i32>} : memref<16x2048xf32, #tpu.memory_space<vmem>>, vector<1x16xf32>,
            %swap3A_88 = vector.shape_cast %swap3A_87 : vector<1x16xf32> to vector<16xf32>
            %swap3A_89 = vector.shape_cast %add3A_84 : vector<16xf32> to vector<1x16xf32>
            tpu.vector_store %arg6[%swap3A_85, %swap3A_86], %swap3A_89 {strides = array<i32>} : memref<16x2048xf32, #tpu.memory_space<vmem>>, vector<1x16xf32>,
            %mul3A_90 = arith.constant 8 : i32
            %mul3A_91 = arith.muli %scan3A_31, %mul3A_90 : i32
            %add3A_92 = arith.constant 3 : i32
            %add3A_93 = arith.addi %mul3A_91, %add3A_92 : i32
            %mul3A_94 = arith.constant 16 : i32
            %mul3A_95 = arith.muli %add3A_93, %mul3A_94 : i32
            %get3A_96 = arith.index_cast %scan3A_25 : i32 to index
            %get3A_97 = arith.index_cast %mul3A_95 : i32 to index
            %get3A_98 = tpu.vector_load %arg6[%get3A_96, %get3A_97] {strides = array<i32>} : memref<16x2048xf32, #tpu.memory_space<vmem>>, vector<1x16xf32>,
            %get3A_99 = vector.shape_cast %get3A_98 : vector<1x16xf32> to vector<16xf32>
            %get3A_100 = arith.index_cast %scan3A_25 : i32 to index
            %get3A_101 = arith.index_cast %mul3A_95 : i32 to index
            %get3A_102 = tpu.vector_load %arg5[%get3A_100, %get3A_101] {strides = array<i32>} : memref<16x2048xf32, #tpu.memory_space<vmem>>, vector<1x16xf32>,
            %get3A_103 = vector.shape_cast %get3A_102 : vector<1x16xf32> to vector<16xf32>
            %add3A_104 = arith.addf %get3A_99, %get3A_103 : vector<16xf32>
            %swap3A_105 = arith.index_cast %scan3A_25 : i32 to index
            %swap3A_106 = arith.index_cast %mul3A_95 : i32 to index
            %swap3A_107 = tpu.vector_load %arg6[%swap3A_105, %swap3A_106] {strides = array<i32>} : memref<16x2048xf32, #tpu.memory_space<vmem>>, vector<1x16xf32>,
            %swap3A_108 = vector.shape_cast %swap3A_107 : vector<1x16xf32> to vector<16xf32>
            %swap3A_109 = vector.shape_cast %add3A_104 : vector<16xf32> to vector<1x16xf32>
            tpu.vector_store %arg6[%swap3A_105, %swap3A_106], %swap3A_109 {strides = array<i32>} : memref<16x2048xf32, #tpu.memory_space<vmem>>, vector<1x16xf32>,
            %mul3A_110 = arith.constant 8 : i32
            %mul3A_111 = arith.muli %scan3A_31, %mul3A_110 : i32
            %add3A_112 = arith.constant 4 : i32
            %add3A_113 = arith.addi %mul3A_111, %add3A_112 : i32
            %mul3A_114 = arith.constant 16 : i32
            %mul3A_115 = arith.muli %add3A_113, %mul3A_114 : i32
            %get3A_116 = arith.index_cast %scan3A_25 : i32 to index
            %get3A_117 = arith.index_cast %mul3A_115 : i32 to index
            %get3A_118 = tpu.vector_load %arg6[%get3A_116, %get3A_117] {strides = array<i32>} : memref<16x2048xf32, #tpu.memory_space<vmem>>, vector<1x16xf32>,
            %get3A_119 = vector.shape_cast %get3A_118 : vector<1x16xf32> to vector<16xf32>
            %get3A_120 = arith.index_cast %scan3A_25 : i32 to index
            %get3A_121 = arith.index_cast %mul3A_115 : i32 to index
            %get3A_122 = tpu.vector_load %arg5[%get3A_120, %get3A_121] {strides = array<i32>} : memref<16x2048xf32, #tpu.memory_space<vmem>>, vector<1x16xf32>,
            %get3A_123 = vector.shape_cast %get3A_122 : vector<1x16xf32> to vector<16xf32>
            %add3A_124 = arith.addf %get3A_119, %get3A_123 : vector<16xf32>
            %swap3A_125 = arith.index_cast %scan3A_25 : i32 to index
            %swap3A_126 = arith.index_cast %mul3A_115 : i32 to index
            %swap3A_127 = tpu.vector_load %arg6[%swap3A_125, %swap3A_126] {strides = array<i32>} : memref<16x2048xf32, #tpu.memory_space<vmem>>, vector<1x16xf32>,
            %swap3A_128 = vector.shape_cast %swap3A_127 : vector<1x16xf32> to vector<16xf32>
            %swap3A_129 = vector.shape_cast %add3A_124 : vector<16xf32> to vector<1x16xf32>
            tpu.vector_store %arg6[%swap3A_125, %swap3A_126], %swap3A_129 {strides = array<i32>} : memref<16x2048xf32, #tpu.memory_space<vmem>>, vector<1x16xf32>,
            %mul3A_130 = arith.constant 8 : i32
            %mul3A_131 = arith.muli %scan3A_31, %mul3A_130 : i32
            %add3A_132 = arith.constant 5 : i32
            %add3A_133 = arith.addi %mul3A_131, %add3A_132 : i32
            %mul3A_134 = arith.constant 16 : i32
            %mul3A_135 = arith.muli %add3A_133, %mul3A_134 : i32
            %get3A_136 = arith.index_cast %scan3A_25 : i32 to index
            %get3A_137 = arith.index_cast %mul3A_135 : i32 to index
            %get3A_138 = tpu.vector_load %arg6[%get3A_136, %get3A_137] {strides = array<i32>} : memref<16x2048xf32, #tpu.memory_space<vmem>>, vector<1x16xf32>,
            %get3A_139 = vector.shape_cast %get3A_138 : vector<1x16xf32> to vector<16xf32>
            %get3A_140 = arith.index_cast %scan3A_25 : i32 to index
            %get3A_141 = arith.index_cast %mul3A_135 : i32 to index
            %get3A_142 = tpu.vector_load %arg5[%get3A_140, %get3A_141] {strides = array<i32>} : memref<16x2048xf32, #tpu.memory_space<vmem>>, vector<1x16xf32>,
            %get3A_143 = vector.shape_cast %get3A_142 : vector<1x16xf32> to vector<16xf32>
            %add3A_144 = arith.addf %get3A_139, %get3A_143 : vector<16xf32>
            %swap3A_145 = arith.index_cast %scan3A_25 : i32 to index
            %swap3A_146 = arith.index_cast %mul3A_135 : i32 to index
            %swap3A_147 = tpu.vector_load %arg6[%swap3A_145, %swap3A_146] {strides = array<i32>} : memref<16x2048xf32, #tpu.memory_space<vmem>>, vector<1x16xf32>,
            %swap3A_148 = vector.shape_cast %swap3A_147 : vector<1x16xf32> to vector<16xf32>
            %swap3A_149 = vector.shape_cast %add3A_144 : vector<16xf32> to vector<1x16xf32>
            tpu.vector_store %arg6[%swap3A_145, %swap3A_146], %swap3A_149 {strides = array<i32>} : memref<16x2048xf32, #tpu.memory_space<vmem>>, vector<1x16xf32>,
            %mul3A_150 = arith.constant 8 : i32
            %mul3A_151 = arith.muli %scan3A_31, %mul3A_150 : i32
            %add3A_152 = arith.constant 6 : i32
            %add3A_153 = arith.addi %mul3A_151, %add3A_152 : i32
            %mul3A_154 = arith.constant 16 : i32
            %mul3A_155 = arith.muli %add3A_153, %mul3A_154 : i32
            %get3A_156 = arith.index_cast %scan3A_25 : i32 to index
            %get3A_157 = arith.index_cast %mul3A_155 : i32 to index
            %get3A_158 = tpu.vector_load %arg6[%get3A_156, %get3A_157] {strides = array<i32>} : memref<16x2048xf32, #tpu.memory_space<vmem>>, vector<1x16xf32>,
            %get3A_159 = vector.shape_cast %get3A_158 : vector<1x16xf32> to vector<16xf32>
            %get3A_160 = arith.index_cast %scan3A_25 : i32 to index
            %get3A_161 = arith.index_cast %mul3A_155 : i32 to index
            %get3A_162 = tpu.vector_load %arg5[%get3A_160, %get3A_161] {strides = array<i32>} : memref<16x2048xf32, #tpu.memory_space<vmem>>, vector<1x16xf32>,
            %get3A_163 = vector.shape_cast %get3A_162 : vector<1x16xf32> to vector<16xf32>
            %add3A_164 = arith.addf %get3A_159, %get3A_163 : vector<16xf32>
            %swap3A_165 = arith.index_cast %scan3A_25 : i32 to index
            %swap3A_166 = arith.index_cast %mul3A_155 : i32 to index
            %swap3A_167 = tpu.vector_load %arg6[%swap3A_165, %swap3A_166] {strides = array<i32>} : memref<16x2048xf32, #tpu.memory_space<vmem>>, vector<1x16xf32>,
            %swap3A_168 = vector.shape_cast %swap3A_167 : vector<1x16xf32> to vector<16xf32>
            %swap3A_169 = vector.shape_cast %add3A_164 : vector<16xf32> to vector<1x16xf32>
            tpu.vector_store %arg6[%swap3A_165, %swap3A_166], %swap3A_169 {strides = array<i32>} : memref<16x2048xf32, #tpu.memory_space<vmem>>, vector<1x16xf32>,
            %mul3A_170 = arith.constant 8 : i32
            %mul3A_171 = arith.muli %scan3A_31, %mul3A_170 : i32
            %add3A_172 = arith.constant 7 : i32
            %add3A_173 = arith.addi %mul3A_171, %add3A_172 : i32
            %mul3A_174 = arith.constant 16 : i32
            %mul3A_175 = arith.muli %add3A_173, %mul3A_174 : i32
            %get3A_176 = arith.index_cast %scan3A_25 : i32 to index
            %get3A_177 = arith.index_cast %mul3A_175 : i32 to index
            %get3A_178 = tpu.vector_load %arg6[%get3A_176, %get3A_177] {strides = array<i32>} : memref<16x2048xf32, #tpu.memory_space<vmem>>, vector<1x16xf32>,
            %get3A_179 = vector.shape_cast %get3A_178 : vector<1x16xf32> to vector<16xf32>
            %get3A_180 = arith.index_cast %scan3A_25 : i32 to index
            %get3A_181 = arith.index_cast %mul3A_175 : i32 to index
            %get3A_182 = tpu.vector_load %arg5[%get3A_180, %get3A_181] {strides = array<i32>} : memref<16x2048xf32, #tpu.memory_space<vmem>>, vector<1x16xf32>,
            %get3A_183 = vector.shape_cast %get3A_182 : vector<1x16xf32> to vector<16xf32>
            %add3A_184 = arith.addf %get3A_179, %get3A_183 : vector<16xf32>
            %swap3A_185 = arith.index_cast %scan3A_25 : i32 to index
            %swap3A_186 = arith.index_cast %mul3A_175 : i32 to index
            %swap3A_187 = tpu.vector_load %arg6[%swap3A_185, %swap3A_186] {strides = array<i32>} : memref<16x2048xf32, #tpu.memory_space<vmem>>, vector<1x16xf32>,
            %swap3A_188 = vector.shape_cast %swap3A_187 : vector<1x16xf32> to vector<16xf32>
            %swap3A_189 = vector.shape_cast %add3A_184 : vector<16xf32> to vector<1x16xf32>
            tpu.vector_store %arg6[%swap3A_185, %swap3A_186], %swap3A_189 {strides = array<i32>} : memref<16x2048xf32, #tpu.memory_space<vmem>>, vector<1x16xf32>,
          }
          %scan3A_30 = arith.constant 16 : i32
        }
        %scan3A_24 = arith.constant 16 : i32
        "tpu.region"() ({
          %run_scoped3A = tpu.sem_alloc : memref<!tpu.dma_semaphore, #tpu.memory_space<semaphore_mem>>
          %dma_start3A = arith.constant 0 : i32
          %dma_start3A_25 = tpu.memref_slice %arg4[%scan3A_18, %add3A_11, %dma_start3A] : memref<4x4096x2048xf32, #tpu.memory_space<hbm>> -> memref<1x16x2048xf32, #tpu.memory_space<hbm>>
          %dma_start3A_26 = tpu.memref_squeeze %dma_start3A_25 : memref<1x16x2048xf32, #tpu.memory_space<hbm>> -> memref<16x2048xf32, #tpu.memory_space<hbm>>
          %dma_start3A_27 = arith.constant 0 : i32
          %dma_start3A_28 = tpu.memref_slice %arg4[%scan3A_18, %add3A_11, %dma_start3A_27] : memref<4x4096x2048xf32, #tpu.memory_space<hbm>> -> memref<1x16x2048xf32, #tpu.memory_space<hbm>>
          %dma_start3A_29 = tpu.memref_squeeze %dma_start3A_28 : memref<1x16x2048xf32, #tpu.memory_space<hbm>> -> memref<16x2048xf32, #tpu.memory_space<hbm>>
          tpu.enqueue_dma source(%arg6 : memref<16x2048xf32, #tpu.memory_space<vmem>>) target(%dma_start3A_29 : memref<16x2048xf32, #tpu.memory_space<hbm>>) target_semaphore(%run_scoped3A : memref<!tpu.dma_semaphore, #tpu.memory_space<semaphore_mem>>)
          %dma_wait3A = arith.constant 0 : i32
          %dma_wait3A_30 = tpu.memref_slice %arg4[%scan3A_18, %add3A_11, %dma_wait3A] : memref<4x4096x2048xf32, #tpu.memory_space<hbm>> -> memref<1x16x2048xf32, #tpu.memory_space<hbm>>
          %dma_wait3A_31 = tpu.memref_squeeze %dma_wait3A_30 : memref<1x16x2048xf32, #tpu.memory_space<hbm>> -> memref<16x2048xf32, #tpu.memory_space<hbm>>
          %dma_wait3A_32 = arith.constant 0 : i32
          %dma_wait3A_33 = tpu.memref_slice %arg4[%scan3A_18, %add3A_11, %dma_wait3A_32] : memref<4x4096x2048xf32, #tpu.memory_space<hbm>> -> memref<1x16x2048xf32, #tpu.memory_space<hbm>>
          %dma_wait3A_34 = tpu.memref_squeeze %dma_wait3A_33 : memref<1x16x2048xf32, #tpu.memory_space<hbm>> -> memref<16x2048xf32, #tpu.memory_space<hbm>>
          tpu.wait_dma2 semaphore(%run_scoped3A : memref<!tpu.dma_semaphore, #tpu.memory_space<semaphore_mem>>) src(%arg6 : memref<16x2048xf32, #tpu.memory_space<vmem>>) dst(%dma_wait3A_34 : memref<16x2048xf32, #tpu.memory_space<hbm>>)
          tpu.yield
        }) : () -> ()
      }
      %scan3A_17 = arith.constant 4 : i32
    }
    %scan3A_7 = arith.constant 8 : i32
    return
  }
}

</mosaic_0001>

<sc_bundles>
// kernel: kernel.3.cloned.1.call-start
scs
__scs_entry_jumppad:
0x0: {  	(pc) =	sbr.rel $0x88, $3  }
0x1: {  	(tag) =	ssettag $0x0;
	lr =	simm.s32 $0x1  }
0x2: {  	[smem:$0x3F9F] =	sst lr;
	_ =	strace $0xD0000000  }
0x3: {  	_ = 	snop  }
0x4: {  	_ = 	snop  }
0x5: {  	_ = 	snop  }
0x6: {  	_ = 	snop  }
0x7: {  	_ = 	snop  }
__scs_overlays_trampoline_lowered:
0x8: {  	[smem:$0x3FAE] =	sst s0  }
0x9: {  	[smem:$0x3FAF] =	sst s1  }
0xa: {  	[smem:$0x3FB0] =	sst s2  }
0xb: {  	[smem:$0x3FB1] =	sst s3  }
0xc: {  	[smem:$0x3FB2] =	sst s4  }
0xd: {  	[smem:$0x3FB3] =	sst s5  }
0xe: {  	[smem:$0x3FB4] =	sst s6  }
0xf: {  	[smem:$0x3FB5] =	sst s7  }
0x10: {  	[smem:$0x3FB6] =	sst s8  }
0x11: {  	[smem:$0x3FB7] =	sst s9;
	s0 =	simm.s32 @!p0 $0x0  }
0x12: {  	s1 =	sld [smem:$0x3F9D];
	s0 =	simm.s32 @p0 $0x1  }
0x13: {  	[smem:$0x3FB8] =	sst s0;
	s0 =	simm.s32 @!p1 $0x0  }
0x14: {  	s2 =	sld [smem:$0x3F9C];
	s0 =	simm.s32 @p1 $0x1  }
0x15: {  	[smem:$0x3FB9] =	sst s0;
	s0 =	simm.s32 @!p2 $0x0  }
0x16: {  	s3 =	sld [smem:$0x3FDB];
	s0 =	simm.s32 @p2 $0x1  }
0x17: {  	s4 =	simm.s32 $0x1BF5;
	[smem:$0x3FBB] =	sst s0  }
0x18: {  	s0 =	sld [smem:$0x3F9E];
	_ =	swait.ge [sflag:s4], $0x0  }
0x19: {  	s7 =	sld [smem:$0x3F9F]  }
0x1a: {  	s8 =	sadd.s32 $0xFFFFE003, lr  }
0x1b: {  	s9 =	sadd.s32 $0xFFFFFEF7, lr;
	s5 =	simm.s32 $0xFFFFFFFF;
	p2 =	slt.u32 s8, $0xFFFFF086  }
0x1c: {  	p1 =	slt.u32 s9, $0xF7A;
	s5 =	simm.s32 @!p2 $0x0  }
0x1d: {  	s5 =	simm.s32 @p1 $0x1;
	p0 =	seq.s32 s7, s2  }
0x1e: {  	s7 =	smul.u32 @!p0 $0xF7A, s2;
	p2 =	seq.s32 @!p0 s5, $0x0  }
0x1f: {  	s9 =	smul.u32 $0xF7A, s1;
	s8 =	simm.s32 @!p0 $0x1BF5;
	p2 =	por !p2, p0  }
0x20: {  	[sflag:s8] =	ssyncset.s32 @!p0 $0xFFFFF086;
	s6 =	sadd.s32 @!p0 s3, s7;
	s7 =	simm.s32 @!p0 $0x108  }
0x21: {  	s3 =	sadd.s32 s3, s9;
	s6 =	sadd.s32 @!p0 $0x88, s6;
	s7 =	simm.s32 @p2 $0x1082  }
0x22: {  	[simem:s7], [sflag:s8] =	dma.local @!p0 [hbm:s6], $0xF7A  }
0x23: {  	s9 =	sor.u32 $0xD0000000, s2;
	s6 =	simm.s32 $0x108;
	_ =	swait.ge @!p0 [sflag:s8], $0x0  }
0x24: {  	s3 =	sadd.s32 $0x88, s3;
	s6 =	simm.s32 @!p1 $0x1082;
	[sflag:s4] =	ssyncset.s32 $0xFFFFF086  }
0x25: {  	[simem:s6], [sflag:s4] =	dma.local [hbm:s3], $0xF7A  }
0x26: {  	[smem:$0x3F9F] =	sst s1;
	(tag) =	ssettag s2;
	_ =	strace s9  }
0x27: {  	s1 =	sld [smem:$0x3FAF]  }
0x28: {  	s2 =	sld [smem:$0x3FB0]  }
0x29: {  	s4 =	sld [smem:$0x3FB2]  }
0x2a: {  	p0 =	seq.s32 s5, $0x0;
	s5 =	sld [smem:$0x3FB3]  }
0x2b: {  	s6 =	sld [smem:$0x3FB4]  }
0x2c: {  	s7 =	sld [smem:$0x3FB5]  }
0x2d: {  	s3 =	simm.s32 $0x108;
	s8 =	sld [smem:$0x3FB6]  }
0x2e: {  	s3 =	simm.s32 @!p0 $0x1082;
	s9 =	sld [smem:$0x3FB7]  }
0x2f: {  	lr =	sadd.s32 s0, s3;
	s0 =	sld [smem:$0x3FAE]  }
0x30: {  	s3 =	sld [smem:$0x3FB1]  }
0x31: {  	[smem:$0x3FBA] =	sst s10  }
0x32: {  	s10 =	sld [smem:$0x3FB8];
	_ =	sdelay $0x3  }
0x33: {  	p0 =	seq.s32 s10, $0x1;
	s10 =	sld [smem:$0x3FBA];
	_ =	sdelay $0x3  }
0x34: {  	[smem:$0x3FBA] =	sst s10  }
0x35: {  	s10 =	sld [smem:$0x3FB9];
	_ =	sdelay $0x3  }
0x36: {  	p1 =	seq.s32 s10, $0x1;
	s10 =	sld [smem:$0x3FBA];
	_ =	sdelay $0x3  }
0x37: {  	[smem:$0x3FBA] =	sst s10  }
0x38: {  	s10 =	sld [smem:$0x3FBB]  }
0x39: {  	_ = 	snop;
	(pc) =	sbr.ind lr, $3  }
0x3a: {  	_ = 	snop  }
0x3b: {  	_ = 	snop  }
0x3c: {  	p2 =	seq.s32 s10, $0x1;
	s10 =	sld [smem:$0x3FBA]  }
0x3d: {  	_ =	shalt  }
0x3e: {  	_ =	shalt  }
0x3f: {  	_ =	shalt  }
0x40: {  	_ =	shalt  }
0x41: {  	_ =	shalt  }
0x42: {  	_ =	shalt  }
0x43: {  	_ =	shalt  }
0x44: {  	_ =	shalt  }
0x45: {  	_ =	shalt  }
0x46: {  	_ =	shalt  }
0x47: {  	_ =	shalt  }
0x48: {  	_ =	shalt  }
0x49: {  	_ =	shalt  }
0x4a: {  	_ =	shalt  }
0x4b: {  	_ =	shalt  }
0x4c: {  	_ =	shalt  }
0x4d: {  	_ =	shalt  }
0x4e: {  	_ =	shalt  }
0x4f: {  	_ =	shalt  }
0x50: {  	_ =	shalt  }
0x51: {  	_ =	shalt  }
0x52: {  	_ =	shalt  }
0x53: {  	_ =	shalt  }
0x54: {  	_ =	shalt  }
0x55: {  	_ =	shalt  }
0x56: {  	_ =	shalt  }
0x57: {  	_ =	shalt  }
0x58: {  	_ =	shalt  }
0x59: {  	_ =	shalt  }
0x5a: {  	_ =	shalt  }
0x5b: {  	_ =	shalt  }
0x5c: {  	_ =	shalt  }
0x5d: {  	_ =	shalt  }
0x5e: {  	_ =	shalt  }
0x5f: {  	_ =	shalt  }
0x60: {  	_ =	shalt  }
0x61: {  	_ =	shalt  }
0x62: {  	_ =	shalt  }
0x63: {  	_ =	shalt  }
0x64: {  	_ =	shalt  }
0x65: {  	_ =	shalt  }
0x66: {  	_ =	shalt  }
0x67: {  	_ =	shalt  }
0x68: {  	_ =	shalt  }
0x69: {  	_ =	shalt  }
0x6a: {  	_ =	shalt  }
0x6b: {  	_ =	shalt  }
0x6c: {  	_ =	shalt  }
0x6d: {  	_ =	shalt  }
0x6e: {  	_ =	shalt  }
0x6f: {  	_ =	shalt  }
0x70: {  	_ =	shalt  }
0x71: {  	_ =	shalt  }
0x72: {  	_ =	shalt  }
0x73: {  	_ =	shalt  }
0x74: {  	_ =	shalt  }
0x75: {  	_ =	shalt  }
0x76: {  	_ =	shalt  }
0x77: {  	_ =	shalt  }
0x78: {  	_ =	shalt  }
0x79: {  	_ =	shalt  }
0x7a: {  	_ =	shalt  }
0x7b: {  	_ =	shalt  }
0x7c: {  	_ =	shalt  }
0x7d: {  	_ =	shalt  }
0x7e: {  	_ =	shalt  }
0x7f: {  	_ =	shalt  }
0x80: {  	_ =	shalt  }
0x81: {  	_ =	shalt  }
0x82: {  	_ =	shalt  }
0x83: {  	_ =	shalt  }
0x84: {  	_ =	shalt  }
0x85: {  	_ =	shalt  }
0x86: {  	_ =	shalt  }
0x87: {  	_ =	shalt  }
.Lfunc_end0:
.L_simem_size_0:
called_computation_lowered:
.L_overlay_start_0:
0x88: {  	s2 =	sld [smem:$0x3FD9]  }
0x89: {  	s3 =	sld [smem:$0x3FFE];
	_ =	sdelay $0x1  }
0x8a: {  	s1 =	srdreg.scid  }
0x8b: {  	s0 =	sand.u32 $0x1, s1  }
0x8c: {  	s18 =	sshll.u32 s0, $0xA;
	s2 =	sadd.s32 s3, s2  }
0x8d: {  	s2 =	sadd.s32 s2, s18  }
0x8e: {  	[smem:$0x3FC6] =	sst s2  }
0x8f: {  	_ = 	snop  }
0x90: {  	s2 =	sld [smem:$0x3FC9]  }
0x91: {  	s19 =	sld [smem:$0x3FC8]  }
0x92: {  	s4 =	sld [smem:$0x3FD0];
	(tm) =	ssettm $0x1  }
0x93: {  	s5 =	sld [smem:$0x3FFB];
	_ =	sdelay $0x3  }
0x94: {  	_ =	strace s5  }
0x95: {  	s5 =	sld [smem:$0x3FFC];
	_ =	sdelay $0x3  }
0x96: {  	_ =	strace s5  }
0x97: {  	s5 =	sld [smem:$0x3FFD];
	_ =	sdelay $0x3  }
0x98: {  	_ =	strace s5  }
0x99: {  	_ =	strace $0x8FFFFFFF  }
0x9a: {  	s20 =	sld [smem:$0x3FDB];
	_ =	sdelay $0x1  }
0x9b: {  	s6 =	simm.s32 $_scs_section_size  }
0x9c: {  	s7 =	simm.s32 $_size__tile_overlayer_lowered;
	s8 =	simm.s32 $_tile_overlayer_lowered  }
0x9d: {  	s23 =	simm.s32 $0x1BFF;
	s22 =	sshll.u32 s8, $0x1;
	s5 =	sadd.s32 s6, s20  }
0x9e: {  	s9 =	simm.s32 $0x0;
	s21 =	sshll.u32 s7, $0x1;
	s7 =	sadd.s32 s22, s5  }
0x9f: {  	[timem:s9], [sflag:s23] =	dma.local [hbm:s7], s21  }
0xa0: {  	_ =	swait.ge [sflag:s23], s21  }
0xa1: {  	s6 =	ssub.s32 $0x0, s21;
	[sflag:s23] =	ssyncset.done $0x0  }
0xa2: {  	[sflag:s23] =	ssyncadd.s32 s6;
	_ =	sdelay $0x1  }
0xa3: {  	s24 =	simm.s32 $0x1B8B  }
0xa4: {  	_ =	swait.ge [sflag:s24], $0x1  }
0xa5: {  	[sflag:s24] =	ssyncset.done $0x0  }
0xa6: {  	s25 =	simm.s32 $0x1B8E;
	[sflag:s24] =	ssyncadd.s32 $0xFFFFFFFF  }
0xa7: {  	s26 =	simm.s32 $execute0_lowered;
	[smem:$0x3FD2] =	sst s25  }
0xa8: {  	s6 =	sshll.u32 s26, $0x1;
	_ =	strace $0x80000046;
	[dreg:$0x1] =	wrdreg $0xFFFFFFFF  }
0xa9: {  	s28 =	simm.s32 $_size_execute0_lowered;
	s5 =	sadd.s32 s5, s6;
	[dreg:$0x0] =	wrdreg $0x0  }
0xaa: {  	s6 =	sshll.u32 s28, $0x1;
	[dreg:$0x2] =	wrdreg s5  }
0xab: {  	[dreg:$0x3] =	wrdreg s6  }
0xac: {  	[dreg:$0x4] =	wrdreg $0xC0  }
0xad: {  	_ =	task [dreg:s9], $0x5FFFF  }
0xae: {  	[dreg:$0x1] =	wrdreg $0xFFFFFFFF  }
0xaf: {  	[dreg:$0x0] =	wrdreg $0x60  }
0xb0: {  	[dreg:$0x2] =	wrdreg s2  }
0xb1: {  	[dreg:$0x3] =	wrdreg s19  }
0xb2: {  	[dreg:$0x4] =	wrdreg s4  }
0xb3: {  	[dreg:$0x5] =	wrdreg $0x9  }
0xb4: {  	_ =	task.clear_ibuf [dreg:s9], $0x6FFFF;
	_ =	strace $0x90000046  }
0xb5: {  	s29 =	simm.s32 $0x9;
	_ =	strace $0x80000048  }
0xb6: {  	_ =	swait.ge [sflag:s29], $0x1  }
0xb7: {  	[sflag:s29] =	ssyncadd.s32 $0xFFFFFFFF  }
0xb8: {  	_ =	strace $0x90000048  }
0xb9: {  	_ =	sfence  }
0xba: {  	s30 =	sld [smem:$0x0];
	_ =	sdelay $0x2  }
0xbb: {  	s31 =	sshll.u32 s1, $0xD;
	s1 =	sshrl.u32 s1, $0x2  }
0xbc: {  	s3 =	sand.u32 $0x4000, s31;
	s1 =	sadd.s32 s1, s30  }
0xbd: {  	s0 =	sor.u32 s3, s0;
	s1 =	sshll.u32 s1, $0x11  }
0xbe: {  	s0 =	sor.u32 s1, s0  }
0xbf: {  	s0 =	sadd.s32 $0x8F2B, s0  }
0xc0: {  	[sflag:s0] =	ssyncadd.remote.s32 $0x1  }
0xc1: {  	_ =	sfence.sel $0xFFFF  }
0xc2: {  	[dreg:$0x0] =	wrdreg $0xFFFFFFFF;
	(pc) =	sbr.abs _section_cstart, $3  }
0xc3: {  	[dreg:$0x1] =	wrdreg $0xFFFFFFFF  }
0xc4: {  	_ =	task.clear_ibuf [dreg:s9], $0x2FFFF;
	_ =	strace $0x9FFFFFFF  }
0xc5: {  	(tm) =	ssettm $0x7FFFFFFF  }
tec
execute0_lowered:
.L_overlay_start_1:
0x0: {  	(tag) =	ssettag $0x1  }
0x1: {  	s1 =	rddreg [dreg:$0x0]  }
0x2: {  	s2 =	rddreg [dreg:$0x1]  }
0x3: {  	s0 =	srdreg.scid;
	s3 =	rddreg [dreg:$0x2];
	s5 =	simm.s32 $0x0  }
0x4: {  	s4 =	stileid.u32;
	s9 =	simm.s32 $0x8000;
	s6 =	sand.u32 $0x1, s0  }
0x5: {  	s10 =	simm.s32 $0x0;
	s0 =	rddreg [dreg:$0x3];
	s7 =	ssub.s32 $0x2, s6  }
0x6: {  	[smem:$0x7FF] =	sst s5;
	s31 =	sshll.u32 s4, $0x13;
	s8 =	sshrl.u32 s7, $0x1  }
0x7: {  	s6 =	sshll.u32 s6, $0x12;
	_ =	strace $0x80000047;
	s7 =	ssub.s32 s7, s8  }
0x8: {  	s6 =	sor.u32 s6, s31;
	s8 =	simm.s32 $0x1;
	s7 =	smax.u32 s7, $0x1  }
.LBB2_1:
0x9: {  	s11 =	simm.s32 $0x0  }
.LBB2_2:
0xa: {  	s12 =	sshll.u32 s11, $0xF  }
0xb: {  	s12 =	sadd.s32 s6, s12  }
0xc: {  	s13 =	sshrl.u32 s12, $0x3  }
0xd: {  	s14 =	sadd.s32 s2, s13;
	s13 =	simm.s32 $0x0  }
0xe: {  	[tilespmem:s13], [sflag:$0x1] =	stream.linear.gather [hbm4b:s14+s13], $0x8000, $0x38;
	[tilespmem:$0x10000] =	vst v63  }
0xf: {  	_ =	swait.ge [sflag:s8], $0x8000  }
0x10: {  	[sflag:s8] =	ssyncset.done $0x0  }
0x11: {  	s14 =	simm.s32 $0x0;
	[sflag:s8] =	ssyncadd.s32 $0xFFFF8000  }
.LBB2_3:
0x12: {  	s15 =	sshll.u32 s14, $0x17  }
0x13: {  	s15 =	sadd.s32 s12, s15  }
0x14: {  	s15 =	sshrl.u32 s15, $0x3  }
0x15: {  	s16 =	sadd.s32 s1, s15  }
0x16: {  	[tilespmem:s9], [sflag:$0x1] =	stream.linear.gather [hbm4b:s16+s13], $0x8000, $0x38;
	[tilespmem:$0x10000] =	vst v63  }
0x17: {  	_ =	swait.ge [sflag:s8], $0x8000  }
0x18: {  	s17 =	simm.s32 $0x0;
	[sflag:s8] =	ssyncset.done $0x0  }
0x19: {  	s18 =	simm.s32 $0x0;
	s16 =	simm.s32 $0x0;
	[sflag:s8] =	ssyncadd.s32 $0xFFFF8000  }
.LBB2_4:
0x1a: {  	s19 =	sshll.u32 s17, $0x2;
	s20 =	sand.u32 $0x7, s16  }
0x1b: {  	s19 =	sand.u32 $0xFFFF0000, s19;
	s20 =	sshll.u32 s20, $0x9  }
0x1c: {  	s19 =	sor.u32 s20, s19  }
0x1d: {  	s19 =	sshrl.u32 s19, $0x2  }
0x1e: {  	s31 =	sadd.s32 $0x8040, s19  }
0x1f: {  	s19 =	sor.u32 $0x70, s19;
	v0 =	vmov s31  }
0x20: {  	v1 =	vmov s19;
	_ =	sdelay $0x2  }
0x21: {  	s19 =	simm.s32 $0x0  }
0x22: {  	v2 =	vld.idx.msk [tilespmem:v0+s19+$0xFFFFFFC0 ss:$0x1], $0xffff  }
0x23: {  	v3 =	vld.idx.msk [tilespmem:v1+s19+$0xFFFFFF90 ss:$0x1], $0xffff;
	_ =	sdelay $0x4  }
0x24: {  	v2 =	vadd.f32 v3, v2;
	_ =	sdelay $0x1  }
0x25: {  	[tilespmem:v0+s19+$0xFFFFFFC0 ss:$0x1] =	vst.idx.msk $0xffff, v2  }
0x26: {  	v2 =	vld.idx.msk [tilespmem:v0+s19+$0xFFFFFFD0 ss:$0x1], $0xffff  }
0x27: {  	v3 =	vld.idx.msk [tilespmem:v1+s19+$0xFFFFFFA0 ss:$0x1], $0xffff;
	_ =	sdelay $0x4  }
0x28: {  	v2 =	vadd.f32 v3, v2;
	_ =	sdelay $0x1  }
0x29: {  	[tilespmem:v0+s19+$0xFFFFFFD0 ss:$0x1] =	vst.idx.msk $0xffff, v2  }
0x2a: {  	v2 =	vld.idx.msk [tilespmem:v0+s19+$0xFFFFFFE0 ss:$0x1], $0xffff  }
0x2b: {  	v3 =	vld.idx.msk [tilespmem:v1+s19+$0xFFFFFFB0 ss:$0x1], $0xffff;
	_ =	sdelay $0x4  }
0x2c: {  	v2 =	vadd.f32 v3, v2;
	_ =	sdelay $0x1  }
0x2d: {  	[tilespmem:v0+s19+$0xFFFFFFE0 ss:$0x1] =	vst.idx.msk $0xffff, v2  }
0x2e: {  	v2 =	vld.idx.msk [tilespmem:v0+s19+$0xFFFFFFF0 ss:$0x1], $0xffff  }
0x2f: {  	v3 =	vld.idx.msk [tilespmem:v1+s19+$0xFFFFFFC0 ss:$0x1], $0xffff;
	_ =	sdelay $0x4  }
0x30: {  	v2 =	vadd.f32 v3, v2;
	_ =	sdelay $0x1  }
0x31: {  	[tilespmem:v0+s19+$0xFFFFFFF0 ss:$0x1] =	vst.idx.msk $0xffff, v2  }
0x32: {  	v2 =	vld.idx.msk [tilespmem:v0+s19+$0x0 ss:$0x1], $0xffff  }
0x33: {  	v3 =	vld.idx.msk [tilespmem:v1+s19+$0xFFFFFFD0 ss:$0x1], $0xffff;
	_ =	sdelay $0x4  }
0x34: {  	v2 =	vadd.f32 v3, v2;
	_ =	sdelay $0x1  }
0x35: {  	[tilespmem:v0+s19+$0x0 ss:$0x1] =	vst.idx.msk $0xffff, v2  }
0x36: {  	v2 =	vld.idx.msk [tilespmem:v0+s19+$0x10 ss:$0x1], $0xffff  }
0x37: {  	v3 =	vld.idx.msk [tilespmem:v1+s19+$0xFFFFFFE0 ss:$0x1], $0xffff;
	_ =	sdelay $0x4  }
0x38: {  	v2 =	vadd.f32 v3, v2;
	_ =	sdelay $0x1  }
0x39: {  	[tilespmem:v0+s19+$0x10 ss:$0x1] =	vst.idx.msk $0xffff, v2  }
0x3a: {  	v2 =	vld.idx.msk [tilespmem:v0+s19+$0x20 ss:$0x1], $0xffff  }
0x3b: {  	v3 =	vld.idx.msk [tilespmem:v1+s19+$0xFFFFFFF0 ss:$0x1], $0xffff;
	_ =	sdelay $0x4  }
0x3c: {  	v2 =	vadd.f32 v3, v2;
	_ =	sdelay $0x1  }
0x3d: {  	[tilespmem:v0+s19+$0x20 ss:$0x1] =	vst.idx.msk $0xffff, v2  }
0x3e: {  	s20 =	simm.s32 $0x1000;
	v2 =	vld.idx.msk [tilespmem:v0+s19+$0x30 ss:$0x1], $0xffff  }
.LBB2_5:
0x3f: {  	p0 =	sne.s32 s20, $0xF000;
	v3 =	vld.idx.msk [tilespmem:v1+s19+$0x0 ss:$0x1], $0xffff;
	s21 =	smov.u32 s20;
	s20 =	sadd.s32 $0x1000, s20  }
0x40: {  	_ =	sdelay $0x4  }
0x41: {  	v2 =	vadd.f32 v3, v2  }
0x42: {  	s21 =	sshra.s32 s21, $0x2  }
0x43: {  	v3 =	vld.idx.msk [tilespmem:v0+s21+$0xFFFFFFC0 ss:$0x1], $0xffff;
	[tilespmem:v0+s19+$0x30 ss:$0x1] =	vst.idx.msk $0xffff, v2;
	s19 =	smov.u32 s21  }
0x44: {  	v2 =	vld.idx.msk [tilespmem:v1+s19+$0xFFFFFF90 ss:$0x1], $0xffff;
	_ =	sdelay $0x5  }
0x45: {  	v2 =	vadd.f32 v2, v3;
	_ =	sdelay $0x1  }
0x46: {  	[tilespmem:v0+s19+$0xFFFFFFC0 ss:$0x1] =	vst.idx.msk $0xffff, v2  }
0x47: {  	v2 =	vld.idx.msk [tilespmem:v0+s19+$0xFFFFFFD0 ss:$0x1], $0xffff  }
0x48: {  	v3 =	vld.idx.msk [tilespmem:v1+s19+$0xFFFFFFA0 ss:$0x1], $0xffff;
	_ =	sdelay $0x5  }
0x49: {  	v2 =	vadd.f32 v3, v2;
	_ =	sdelay $0x1  }
0x4a: {  	[tilespmem:v0+s19+$0xFFFFFFD0 ss:$0x1] =	vst.idx.msk $0xffff, v2  }
0x4b: {  	v2 =	vld.idx.msk [tilespmem:v0+s19+$0xFFFFFFE0 ss:$0x1], $0xffff  }
0x4c: {  	v3 =	vld.idx.msk [tilespmem:v1+s19+$0xFFFFFFB0 ss:$0x1], $0xffff;
	_ =	sdelay $0x5  }
0x4d: {  	v2 =	vadd.f32 v3, v2;
	_ =	sdelay $0x1  }
0x4e: {  	[tilespmem:v0+s19+$0xFFFFFFE0 ss:$0x1] =	vst.idx.msk $0xffff, v2  }
0x4f: {  	v2 =	vld.idx.msk [tilespmem:v0+s19+$0xFFFFFFF0 ss:$0x1], $0xffff  }
0x50: {  	v3 =	vld.idx.msk [tilespmem:v1+s19+$0xFFFFFFC0 ss:$0x1], $0xffff;
	_ =	sdelay $0x5  }
0x51: {  	v2 =	vadd.f32 v3, v2;
	_ =	sdelay $0x1  }
0x52: {  	[tilespmem:v0+s19+$0xFFFFFFF0 ss:$0x1] =	vst.idx.msk $0xffff, v2  }
0x53: {  	v2 =	vld.idx.msk [tilespmem:v0+s19+$0x0 ss:$0x1], $0xffff  }
0x54: {  	v3 =	vld.idx.msk [tilespmem:v1+s19+$0xFFFFFFD0 ss:$0x1], $0xffff;
	_ =	sdelay $0x5  }
0x55: {  	v2 =	vadd.f32 v3, v2;
	_ =	sdelay $0x1  }
0x56: {  	[tilespmem:v0+s19+$0x0 ss:$0x1] =	vst.idx.msk $0xffff, v2  }
0x57: {  	v2 =	vld.idx.msk [tilespmem:v0+s19+$0x10 ss:$0x1], $0xffff  }
0x58: {  	v3 =	vld.idx.msk [tilespmem:v1+s19+$0xFFFFFFE0 ss:$0x1], $0xffff;
	_ =	sdelay $0x5  }
0x59: {  	v2 =	vadd.f32 v3, v2;
	_ =	sdelay $0x1  }
0x5a: {  	[tilespmem:v0+s19+$0x10 ss:$0x1] =	vst.idx.msk $0xffff, v2  }
0x5b: {  	v2 =	vld.idx.msk [tilespmem:v0+s19+$0x20 ss:$0x1], $0xffff  }
0x5c: {  	v3 =	vld.idx.msk [tilespmem:v1+s19+$0xFFFFFFF0 ss:$0x1], $0xffff;
	_ =	sdelay $0x4  }
.Ltmp0:
0x5d: {  	(pc) =	sbr.rel @p0 .LBB2_5-.Ltmp0, $3  }
0x5e: {  	v2 =	vadd.f32 v3, v2;
	_ =	sdelay $0x1  }
0x5f: {  	[tilespmem:v0+s19+$0x20 ss:$0x1] =	vst.idx.msk $0xffff, v2  }
0x60: {  	v2 =	vld.idx.msk [tilespmem:v0+s19+$0x30 ss:$0x1], $0xffff  }
0x61: {  	_ =	sdelay $0x3  }
0x62: {  	v1 =	vld.idx.msk [tilespmem:v1+s19+$0x0 ss:$0x1], $0xffff  }
0x63: {  	s18 =	sadd.s32 $0x1, s18  }
0x64: {  	p0 =	sne.s32 s18, $0x10  }
.Ltmp1:
0x65: {  	_ = 	snop;
	(pc) =	sbr.rel @p0 .LBB2_4-.Ltmp1, $3  }
0x66: {  	_ = 	snop  }
0x67: {  	v1 =	vadd.f32 v1, v2;
	_ =	sdelay $0x1  }
0x68: {  	s17 =	sadd.s32 $0x800, s17;
	s16 =	sadd.s32 $0x1, s16;
	[tilespmem:v0+s19+$0x30 ss:$0x1] =	vst.idx.msk $0xffff, v1  }
0x69: {  	s14 =	sadd.s32 $0x1, s14  }
0x6a: {  	p0 =	sne.s32 s14, $0x4  }
.Ltmp2:
0x6b: {  	s15 =	sadd.s32 s3, s15;
	(pc) =	sbr.rel @p0 .LBB2_3-.Ltmp2, $4  }
0x6c: {  	[hbm4b:s15+s5] =	stream.linear.scatter [tilespmem:s9], [sflag:$0x1], $0x8000, $0x38;
	[tilespmem:$0x10000] =	vst v63  }
0x6d: {  	_ =	swait.ge [sflag:s8], $0x8000  }
0x6e: {  	[sflag:s8] =	ssyncset.done $0x0  }
0x6f: {  	[sflag:s8] =	ssyncadd.s32 $0xFFFF8000  }
0x70: {  	s11 =	sadd.s32 $0x1, s11  }
0x71: {  	p0 =	sne.s32 s11, $0x8  }
.Ltmp3:
0x72: {  	_ = 	snop;
	(pc) =	sbr.rel @p0 .LBB2_2-.Ltmp3, $1  }
0x73: {  	_ =	sdelay $0x3  }
0x74: {  	s10 =	sadd.s32 $0x1, s10  }
0x75: {  	p0 =	sne.s32 s10, s7  }
.Ltmp4:
0x76: {  	_ = 	snop;
	(pc) =	sbr.rel @p0 .LBB2_1-.Ltmp4, $1  }
0x77: {  	_ =	sdelay $0x3  }
0x78: {  	_ =	sfence.sel $0x180000  }
0x79: {  	[bflag:$0x0] =	sbarrier.arrive $0xFFFF  }
0x7a: {  	p0 =	sne.s32 s4, $0x0;
	_ =	strace $0x90000047  }
0x7b: {  	s0 =	sadd.s32 @!p0 $0x100000, s0;
	[bflag:$0x2] =	sbarrier.arrive $0xFFFF  }
0x7c: {  	[sflag:s0] =	ssyncadd.tile.s32 @!p0 $0x1;
	_ =	shalt  }
.Lfunc_end2:
_tile_overlayer_lowered:
.L_overlay_start_2:
0x7d: {  	(tag) =	ssettag $0x2  }
0x7e: {  	s0 =	rddreg [dreg:$0x0];
	s2 =	stileid.u32  }
0x7f: {  	s1 =	rddreg [dreg:$0x1];
	p0 =	sne.s32 s2, $0x0  }
0x80: {  	s3 =	rddreg [dreg:$0x2];
	[bflag:$0x3] =	sbarrier.arrive $0xFFFF;
	s2 =	simm.s32 @!p0 $0x1C01  }
0x81: {  	[timem:s3], [sflag:s2] =	dma.local @!p0 [hbm:s0], s1  }
0x82: {  	s0 =	simm.s32 @!p0 $0x1  }
0x83: {  	_ =	swait.ge @!p0 [sflag:s0], s1  }
0x84: {  	s1 =	ssub.s32 @!p0 $0x0, s1;
	[sflag:s0] =	ssyncset.done @!p0 $0x0  }
0x85: {  	[sflag:s0] =	ssyncadd.s32 @!p0 s1  }
0x86: {  	[bflag:$0x3] =	sbarrier.arrive $0xFFFF  }
0x87: {  	_ =	shalt  }

</sc_bundles>
